<compile_context>
chip_gen: v7x
topology: tpu7x:2x2x1
jax: 0.10.2.dev20260603
libtpu: 0.0.44.dev20260713+nightly
codegen_flags: <defaults>
</compile_context>

<pallas_src>
import functools

import jax
import jax.numpy as jnp
from jax import lax
from jax.experimental import pallas as pl
from jax.experimental.pallas import tpu as pltpu
from jax.experimental.pallas import tpu_sc as plsc



def _agg_body(nb, kwin, seg_ref, x_ref, jx_ref, wgf_ref, bgf_ref,
              wh_ref, bh_ref, out_ref, acc_ref):
  b = pl.program_id(0)
  d = out_ref.shape[1]

  @pl.when(b == 0)
  def _init():
    acc_ref[...] = jnp.zeros_like(acc_ref)

  seg_base = seg_ref[b]
  base = (seg_base // 8) * 8
  xb = x_ref[...].astype(jnp.bfloat16)
  gf = lax.dot_general(xb, wgf_ref[...], (((1,), (1,)), ((), ())),
                       preferred_element_type=jnp.float32) + bgf_ref[...]
  e = jnp.exp(gf[:, :d])
  fe = gf[:, d:] * e
  rel = jx_ref[0, 0, :] - base
  r = xb.shape[0]
  oh = (lax.broadcasted_iota(jnp.int32, (kwin, r), 0)
        == rel[None, :]).astype(jnp.bfloat16)
  v = jnp.concatenate([e, fe], axis=1).astype(jnp.bfloat16)
  p = lax.dot_general(oh, v, (((1,), (0,)), ((), ())),
                      preferred_element_type=jnp.float32)
  acc_ref[pl.ds(base, kwin), :] += p

  @pl.when(b == nb - 1)
  def _fin():
    z = acc_ref[:, :d]
    y = jnp.where(z > 0.0, acc_ref[:, d:] / z, 0.0)
    out_ref[...] = lax.dot_general(
        y, wh_ref[...], (((1,), (1,)), ((), ())),
        preferred_element_type=jnp.float32) + bh_ref[...]


def _make_phase_a(n, d, spad, r, kwin, interpret=False):
  nb = n // r
  full = lambda shape: pl.BlockSpec(shape, lambda b, seg: tuple(0 for _ in shape))
  grid_spec = pltpu.PrefetchScalarGridSpec(
      num_scalar_prefetch=1,
      grid=(nb,),
      in_specs=[
          pl.BlockSpec((r, d), lambda b, seg: (b, 0)),
          pl.BlockSpec((1, 1, r), lambda b, seg: (b, 0, 0)),
          full((2 * d, d)), full((1, 2 * d)),
          full((d, d)), full((1, d)),
      ],
      out_specs=pl.BlockSpec((spad, d), lambda b, seg: (0, 0)),
      scratch_shapes=[
          pltpu.VMEM((spad, 2 * d), jnp.float32),
      ],
  )
  return pl.pallas_call(
      functools.partial(_agg_body, nb, kwin),
      grid_spec=grid_spec,
      out_shape=jax.ShapeDtypeStruct((spad, d), jnp.float32),
      interpret=interpret,
  )



def _make_phase_b(n, d, spad):
  nc, ns = 2, 16
  nw = nc * ns
  rows_w = n // nw
  ch = 40
  nch = rows_w // ch
  assert rows_w % ch == 0 and rows_w % 8 == 0 and nch % 2 == 0

  mesh = plsc.VectorSubcoreMesh(core_axis_name="c", subcore_axis_name="s")

  @functools.partial(
      pl.kernel,
      out_type=jax.ShapeDtypeStruct((n, d), jnp.float32),
      mesh=mesh,
      scratch_types=[
          pltpu.VMEM((rows_w,), jnp.int32),
          pltpu.VMEM((ch, d), jnp.float32),
          pltpu.VMEM((ch, d), jnp.float32),
          pltpu.VMEM_SHARED((spad, d), jnp.float32),
          pltpu.SemaphoreType.DMA,
          pltpu.SemaphoreType.DMA,
      ],
  )
  def gather_kernel(table_hbm, idx_hbm, out_hbm, idx_v, buf0, buf1, tbl_sh,
                    sem0, sem1):
    wid = lax.axis_index("s") * nc + lax.axis_index("c")
    base = wid * rows_w

    @pl.when(lax.axis_index("s") == 0)
    def _stage():
      pltpu.sync_copy(table_hbm, tbl_sh)

    pltpu.sync_copy(idx_hbm.at[pl.ds(base, rows_w)], idx_v)
    plsc.subcore_barrier()

    def fire(c, buf, sem):
      pltpu.async_copy(tbl_sh.at[idx_v.at[pl.ds(c * ch, ch)]], buf, sem)

    def drain(c, buf, sem):
      pltpu.make_async_copy(
          tbl_sh.at[idx_v.at[pl.ds(c * ch, ch)]], buf, sem).wait()
      pltpu.sync_copy(buf, out_hbm.at[pl.ds(base + c * ch, ch)])

    fire(0, buf0, sem0)

    def body(p, _):
      c0 = 2 * p
      c1 = c0 + 1
      fire(c1, buf1, sem1)
      drain(c0, buf0, sem0)

      @pl.when(c1 + 1 < nch)
      def _():
        fire(c1 + 1, buf0, sem0)

      drain(c1, buf1, sem1)
      return 0

    lax.fori_loop(0, nch // 2, body, 0)

  return gather_kernel



@functools.partial(jax.jit, static_argnames=())
def kernel(x, ix, Wf, bf, Wg, bg, Wh, bh):
  b, n, d = x.shape
  assert b == 1
  r = 2560
  kwin = 128
  spad = 10240

  jx = ix.reshape(-1).astype(jnp.int32)
  seg_starts = jx[::r]
  jx3 = jx.reshape(n // r, 1, r)
  x2 = x.reshape(n, d)

  wgf = jnp.concatenate([Wg, Wf], axis=0).astype(jnp.bfloat16)
  bgf = jnp.concatenate([bg, bf]).reshape(1, 2 * d)
  table = _make_phase_a(n, d, spad, r, kwin)(
      seg_starts, x2, jx3, wgf, bgf, Wh, bh.reshape(1, d))

  out = _make_phase_b(n, d, spad)(table, jx)
  return out.reshape(1, n, d)

# --- scband reference (transcript-rebuilt; emitter-appended) ---
"""Pipeline reference for scband-soft-agg-8873402434226 (READ-ONLY COPY).

The authoritative reference and input builder live on the scoring server;
editing this copy changes nothing except your own understanding.
"""

import jax, jax.numpy as jnp
import numpy as np


def setup_inputs(seed: int = 0) -> dict:
    key = jax.random.key(seed)
    ks = jax.random.split(key, 8)
    B, N, D = 1, 320000, 128
    n_nodes = 10000
    x = jax.random.normal(ks[0], (B, N, D), dtype=jnp.float32)
    ix = jnp.sort(jax.random.randint(ks[1], (N,), 0, n_nodes, dtype=jnp.int64))
    s = 1.0 / np.sqrt(D)
    Wf = jax.random.uniform(ks[2], (D, D), minval=-s, maxval=s, dtype=jnp.float32)
    bf = jax.random.uniform(ks[3], (D,), minval=-s, maxval=s, dtype=jnp.float32)
    Wg = jax.random.uniform(ks[4], (D, D), minval=-s, maxval=s, dtype=jnp.float32)
    bg = jax.random.uniform(ks[5], (D,), minval=-s, maxval=s, dtype=jnp.float32)
    Wh = jax.random.uniform(ks[6], (D, D), minval=-s, maxval=s, dtype=jnp.float32)
    bh = jax.random.uniform(ks[7], (D,), minval=-s, maxval=s, dtype=jnp.float32)
    return {"x": x, "ix": ix, "Wf": Wf, "bf": bf, "Wg": Wg, "bg": bg, "Wh": Wh, "bh": bh}


def reference(x, ix, Wf, bf, Wg, bg, Wh, bh):
    # torch.unique(ix, return_inverse=True)
    jx = ix.reshape(-1)
    S = 10000

    g = x @ Wg.T + bg  # [B, N, D]
    f = x @ Wf.T + bf  # [B, N, D]

    def seg_softmax(v):  # v: [N, D], softmax within segments along N
        m = jax.ops.segment_max(v, jx, num_segments=S)
        e = jnp.exp(v - m[jx])
        z = jax.ops.segment_sum(e, jx, num_segments=S)
        return e / z[jx]

    w = jax.vmap(seg_softmax)(g)  # [B, N, D]
    y = jax.vmap(lambda v: jax.ops.segment_sum(v, jx, num_segments=S))(f * w)  # [B, S, D]
    out = y @ Wh.T + bh  # [B, S, D]
    # expand=True: h(y)[:, jx]
    return out[:, jx]

if __name__ == "__main__":
    import jax
    _d = setup_inputs()
    print(jax.jit(kernel)(*tuple(_d.values())))

</pallas_src>

<mosaic_0001>
#map = affine_map<(d0, d1) -> (0, 0)>
#map1 = affine_map<(d0, d1) -> (0)>
module attributes {stable_mosaic.version = 14 : i64} {
  func.func @gather_kernel(%arg0: i32, %arg1: i32, %arg2: memref<10240x128xf32, #tpu.memory_space<hbm>>, %arg3: memref<320000xi32, #tpu.memory_space<hbm>>, %arg4: memref<320000x128xf32, #tpu.memory_space<hbm>>, %arg5: memref<10000xi32, #tpu.memory_space<vmem>>, %arg6: memref<40x128xf32, #tpu.memory_space<vmem>>, %arg7: memref<40x128xf32, #tpu.memory_space<vmem>>, %arg8: memref<10240x128xf32, #tpu.memory_space<vmem_shared>>, %arg9: memref<!tpu.dma_semaphore, #tpu.memory_space<semaphore_mem>>, %arg10: memref<!tpu.dma_semaphore, #tpu.memory_space<semaphore_mem>>) attributes {dimension_semantics = [#tpu.dimension_semantics<core_parallel>, #tpu.dimension_semantics<subcore_parallel>], iteration_bounds = array<i64: 2, 16>, scalar_prefetch = 0 : i64, scratch_operands = 6 : i64, tpu.core_type = #tpu.core_type<sc_vector_subcore>, window_params = [{transform_indices = #map}, {transform_indices = #map1}, {transform_indices = #map}]} {
    %mul3A = arith.constant 2 : i32
    %mul3A_0 = arith.muli %arg1, %mul3A : i32
    %add3A = arith.addi %mul3A_0, %arg0 : i32
    %mul3A_1 = arith.constant 10000 : i32
    %mul3A_2 = arith.muli %add3A, %mul3A_1 : i32
    %eq3A = arith.constant 0 : i32
    %eq3A_3 = arith.cmpi eq, %arg1, %eq3A : i32
    %convert_element_type3A = arith.extui %eq3A_3 : i1 to i32
    %cond3A = arith.constant 0 : i32
    %cond3A_4 = arith.cmpi ne, %convert_element_type3A, %cond3A : i32
    scf.if %cond3A_4 {
      "tpu.region"() ({
        %run_scoped3A = tpu.sem_alloc : memref<!tpu.dma_semaphore, #tpu.memory_space<semaphore_mem>>
        tpu.enqueue_dma source(%arg2 : memref<10240x128xf32, #tpu.memory_space<hbm>>) target(%arg8 : memref<10240x128xf32, #tpu.memory_space<vmem_shared>>) target_semaphore(%run_scoped3A : memref<!tpu.dma_semaphore, #tpu.memory_space<semaphore_mem>>)
        tpu.wait_dma2 semaphore(%run_scoped3A : memref<!tpu.dma_semaphore, #tpu.memory_space<semaphore_mem>>) src(%arg2 : memref<10240x128xf32, #tpu.memory_space<hbm>>) dst(%arg8 : memref<10240x128xf32, #tpu.memory_space<vmem_shared>>)
        tpu.yield
      }) : () -> ()
    } else {
    }
    "tpu.region"() ({
      %run_scoped3A = tpu.sem_alloc : memref<!tpu.dma_semaphore, #tpu.memory_space<semaphore_mem>>
      %dma_start3A_15 = tpu.memref_slice %arg3[%mul3A_2] : memref<320000xi32, #tpu.memory_space<hbm>> -> memref<10000xi32, #tpu.memory_space<hbm>>
      %dma_start3A_16 = tpu.memref_slice %arg3[%mul3A_2] : memref<320000xi32, #tpu.memory_space<hbm>> -> memref<10000xi32, #tpu.memory_space<hbm>>
      tpu.enqueue_dma source(%dma_start3A_16 : memref<10000xi32, #tpu.memory_space<hbm>>) target(%arg5 : memref<10000xi32, #tpu.memory_space<vmem>>) target_semaphore(%run_scoped3A : memref<!tpu.dma_semaphore, #tpu.memory_space<semaphore_mem>>)
      %dma_wait3A = tpu.memref_slice %arg3[%mul3A_2] : memref<320000xi32, #tpu.memory_space<hbm>> -> memref<10000xi32, #tpu.memory_space<hbm>>
      %dma_wait3A_17 = tpu.memref_slice %arg3[%mul3A_2] : memref<320000xi32, #tpu.memory_space<hbm>> -> memref<10000xi32, #tpu.memory_space<hbm>>
      tpu.wait_dma2 semaphore(%run_scoped3A : memref<!tpu.dma_semaphore, #tpu.memory_space<semaphore_mem>>) src(%dma_wait3A_17 : memref<10000xi32, #tpu.memory_space<hbm>>) dst(%arg5 : memref<10000xi32, #tpu.memory_space<vmem>>)
      tpu.yield
    }) : () -> ()
    %barrier3A = arith.constant 0 : index
    tpu.barrier barrier_id(%barrier3A)
    %dma_start3A = arith.constant 0 : i32
    %dma_start3A_5 = tpu.memref_slice %arg5[%dma_start3A] : memref<10000xi32, #tpu.memory_space<vmem>> -> memref<40xi32, #tpu.memory_space<vmem>>
    %dma_start3A_6 = arith.constant 0 : i32
    %dma_start3A_7 = arith.constant 0 : i32
    %dma_start3A_8 = tpu.memref_slice %arg8[%dma_start3A_6, %dma_start3A_7] : memref<10240x128xf32, #tpu.memory_space<vmem_shared>> -> memref<10240x128xf32, #tpu.memory_space<vmem_shared>>
    tpu.enqueue_indirect_dma source(%dma_start3A_8 : memref<10240x128xf32, #tpu.memory_space<vmem_shared>>) target(%arg6 : memref<40x128xf32, #tpu.memory_space<vmem>>) offsets(%dma_start3A_5 : memref<40xi32, #tpu.memory_space<vmem>>) semaphore(%arg9 : memref<!tpu.dma_semaphore, #tpu.memory_space<semaphore_mem>>)
    %scan3A = arith.constant 0 : i32
    %scan3A_9 = arith.constant 0 : i32
    %scan3A_10 = arith.constant 125 : i32
    %scan3A_11 = arith.addi %scan3A_9, %scan3A_10 : i32
    %scan3A_12 = arith.constant 1 : i32
    %scan3A_13 = scf.for %scan3A_15 = %scan3A_9 to %scan3A_11 step %scan3A_12 iter_args(%scan3A_16 = %scan3A) -> (i32)  : i32 {
      %mul3A_17 = arith.constant 2 : i32
      %mul3A_18 = arith.muli %mul3A_17, %scan3A_15 : i32
      %add3A_19 = arith.constant 1 : i32
      %add3A_20 = arith.addi %mul3A_18, %add3A_19 : i32
      %mul3A_21 = arith.constant 40 : i32
      %mul3A_22 = arith.muli %add3A_20, %mul3A_21 : i32
      %dma_start3A_23 = tpu.memref_slice %arg5[%mul3A_22] : memref<10000xi32, #tpu.memory_space<vmem>> -> memref<40xi32, #tpu.memory_space<vmem>>
      %dma_start3A_24 = arith.constant 0 : i32
      %dma_start3A_25 = arith.constant 0 : i32
      %dma_start3A_26 = tpu.memref_slice %arg8[%dma_start3A_24, %dma_start3A_25] : memref<10240x128xf32, #tpu.memory_space<vmem_shared>> -> memref<10240x128xf32, #tpu.memory_space<vmem_shared>>
      tpu.enqueue_indirect_dma source(%dma_start3A_26 : memref<10240x128xf32, #tpu.memory_space<vmem_shared>>) target(%arg7 : memref<40x128xf32, #tpu.memory_space<vmem>>) offsets(%dma_start3A_23 : memref<40xi32, #tpu.memory_space<vmem>>) semaphore(%arg10 : memref<!tpu.dma_semaphore, #tpu.memory_space<semaphore_mem>>)
      %mul3A_27 = arith.constant 40 : i32
      %mul3A_28 = arith.muli %mul3A_18, %mul3A_27 : i32
      %dma_wait3A = tpu.memref_slice %arg5[%mul3A_28] : memref<10000xi32, #tpu.memory_space<vmem>> -> memref<40xi32, #tpu.memory_space<vmem>>
      %dma_wait3A_29 = arith.constant 0 : i32
      %dma_wait3A_30 = arith.constant 0 : i32
      %dma_wait3A_31 = tpu.memref_slice %arg8[%dma_wait3A_29, %dma_wait3A_30] : memref<10240x128xf32, #tpu.memory_space<vmem_shared>> -> memref<10240x128xf32, #tpu.memory_space<vmem_shared>>
      tpu.wait_indirect_dma semaphore(%arg9 : memref<!tpu.dma_semaphore, #tpu.memory_space<semaphore_mem>>) src(%dma_wait3A_31 : memref<10240x128xf32, #tpu.memory_space<vmem_shared>>) dst(%arg6 : memref<40x128xf32, #tpu.memory_space<vmem>>)
      %mul3A_32 = arith.constant 40 : i32
      %mul3A_33 = arith.muli %mul3A_18, %mul3A_32 : i32
      %add3A_34 = arith.addi %mul3A_2, %mul3A_33 : i32
      "tpu.region"() ({
        %run_scoped3A = tpu.sem_alloc : memref<!tpu.dma_semaphore, #tpu.memory_space<semaphore_mem>>
        %dma_start3A_51 = arith.constant 0 : i32
        %dma_start3A_52 = tpu.memref_slice %arg4[%add3A_34, %dma_start3A_51] : memref<320000x128xf32, #tpu.memory_space<hbm>> -> memref<40x128xf32, #tpu.memory_space<hbm>>
        %dma_start3A_53 = arith.constant 0 : i32
        %dma_start3A_54 = tpu.memref_slice %arg4[%add3A_34, %dma_start3A_53] : memref<320000x128xf32, #tpu.memory_space<hbm>> -> memref<40x128xf32, #tpu.memory_space<hbm>>
        tpu.enqueue_dma source(%arg6 : memref<40x128xf32, #tpu.memory_space<vmem>>) target(%dma_start3A_54 : memref<40x128xf32, #tpu.memory_space<hbm>>) target_semaphore(%run_scoped3A : memref<!tpu.dma_semaphore, #tpu.memory_space<semaphore_mem>>)
        %dma_wait3A_55 = arith.constant 0 : i32
        %dma_wait3A_56 = tpu.memref_slice %arg4[%add3A_34, %dma_wait3A_55] : memref<320000x128xf32, #tpu.memory_space<hbm>> -> memref<40x128xf32, #tpu.memory_space<hbm>>
        %dma_wait3A_57 = arith.constant 0 : i32
        %dma_wait3A_58 = tpu.memref_slice %arg4[%add3A_34, %dma_wait3A_57] : memref<320000x128xf32, #tpu.memory_space<hbm>> -> memref<40x128xf32, #tpu.memory_space<hbm>>
        tpu.wait_dma2 semaphore(%run_scoped3A : memref<!tpu.dma_semaphore, #tpu.memory_space<semaphore_mem>>) src(%arg6 : memref<40x128xf32, #tpu.memory_space<vmem>>) dst(%dma_wait3A_58 : memref<40x128xf32, #tpu.memory_space<hbm>>)
        tpu.yield
      }) : () -> ()
      %add3A_35 = arith.constant 1 : i32
      %add3A_36 = arith.addi %add3A_20, %add3A_35 : i32
      %lt3A = arith.constant 250 : i32
      %lt3A_37 = arith.cmpi slt, %add3A_36, %lt3A : i32
      %convert_element_type3A_38 = arith.extui %lt3A_37 : i1 to i32
      %cond3A_39 = arith.constant 0 : i32
      %cond3A_40 = arith.cmpi ne, %convert_element_type3A_38, %cond3A_39 : i32
      scf.if %cond3A_40 {
        %add3A_51 = arith.constant 1 : i32
        %add3A_52 = arith.addi %add3A_20, %add3A_51 : i32
        %mul3A_53 = arith.constant 40 : i32
        %mul3A_54 = arith.muli %add3A_52, %mul3A_53 : i32
        %dma_start3A_55 = tpu.memref_slice %arg5[%mul3A_54] : memref<10000xi32, #tpu.memory_space<vmem>> -> memref<40xi32, #tpu.memory_space<vmem>>
        %dma_start3A_56 = arith.constant 0 : i32
        %dma_start3A_57 = arith.constant 0 : i32
        %dma_start3A_58 = tpu.memref_slice %arg8[%dma_start3A_56, %dma_start3A_57] : memref<10240x128xf32, #tpu.memory_space<vmem_shared>> -> memref<10240x128xf32, #tpu.memory_space<vmem_shared>>
        tpu.enqueue_indirect_dma source(%dma_start3A_58 : memref<10240x128xf32, #tpu.memory_space<vmem_shared>>) target(%arg6 : memref<40x128xf32, #tpu.memory_space<vmem>>) offsets(%dma_start3A_55 : memref<40xi32, #tpu.memory_space<vmem>>) semaphore(%arg9 : memref<!tpu.dma_semaphore, #tpu.memory_space<semaphore_mem>>)
      } else {
      }
      %mul3A_41 = arith.constant 40 : i32
      %mul3A_42 = arith.muli %add3A_20, %mul3A_41 : i32
      %dma_wait3A_43 = tpu.memref_slice %arg5[%mul3A_42] : memref<10000xi32, #tpu.memory_space<vmem>> -> memref<40xi32, #tpu.memory_space<vmem>>
      %dma_wait3A_44 = arith.constant 0 : i32
      %dma_wait3A_45 = arith.constant 0 : i32
      %dma_wait3A_46 = tpu.memref_slice %arg8[%dma_wait3A_44, %dma_wait3A_45] : memref<10240x128xf32, #tpu.memory_space<vmem_shared>> -> memref<10240x128xf32, #tpu.memory_space<vmem_shared>>
      tpu.wait_indirect_dma semaphore(%arg10 : memref<!tpu.dma_semaphore, #tpu.memory_space<semaphore_mem>>) src(%dma_wait3A_46 : memref<10240x128xf32, #tpu.memory_space<vmem_shared>>) dst(%arg7 : memref<40x128xf32, #tpu.memory_space<vmem>>)
      %mul3A_47 = arith.constant 40 : i32
      %mul3A_48 = arith.muli %add3A_20, %mul3A_47 : i32
      %add3A_49 = arith.addi %mul3A_2, %mul3A_48 : i32
      "tpu.region"() ({
        %run_scoped3A = tpu.sem_alloc : memref<!tpu.dma_semaphore, #tpu.memory_space<semaphore_mem>>
        %dma_start3A_51 = arith.constant 0 : i32
        %dma_start3A_52 = tpu.memref_slice %arg4[%add3A_49, %dma_start3A_51] : memref<320000x128xf32, #tpu.memory_space<hbm>> -> memref<40x128xf32, #tpu.memory_space<hbm>>
        %dma_start3A_53 = arith.constant 0 : i32
        %dma_start3A_54 = tpu.memref_slice %arg4[%add3A_49, %dma_start3A_53] : memref<320000x128xf32, #tpu.memory_space<hbm>> -> memref<40x128xf32, #tpu.memory_space<hbm>>
        tpu.enqueue_dma source(%arg7 : memref<40x128xf32, #tpu.memory_space<vmem>>) target(%dma_start3A_54 : memref<40x128xf32, #tpu.memory_space<hbm>>) target_semaphore(%run_scoped3A : memref<!tpu.dma_semaphore, #tpu.memory_space<semaphore_mem>>)
        %dma_wait3A_55 = arith.constant 0 : i32
        %dma_wait3A_56 = tpu.memref_slice %arg4[%add3A_49, %dma_wait3A_55] : memref<320000x128xf32, #tpu.memory_space<hbm>> -> memref<40x128xf32, #tpu.memory_space<hbm>>
        %dma_wait3A_57 = arith.constant 0 : i32
        %dma_wait3A_58 = tpu.memref_slice %arg4[%add3A_49, %dma_wait3A_57] : memref<320000x128xf32, #tpu.memory_space<hbm>> -> memref<40x128xf32, #tpu.memory_space<hbm>>
        tpu.wait_dma2 semaphore(%run_scoped3A : memref<!tpu.dma_semaphore, #tpu.memory_space<semaphore_mem>>) src(%arg7 : memref<40x128xf32, #tpu.memory_space<vmem>>) dst(%dma_wait3A_58 : memref<40x128xf32, #tpu.memory_space<hbm>>)
        tpu.yield
      }) : () -> ()
      %scan3A_50 = arith.constant 0 : i32
      scf.yield %scan3A_50 : i32
    }
    %scan3A_14 = arith.constant 125 : i32
    return
  }
}

module attributes {stable_mosaic.version = 14 : i64} {
  func.func @_agg_body(%arg0: i32, %arg1: memref<125xi32, #tpu.memory_space<smem>>, %arg2: memref<2560x128xf32, #tpu.memory_space<vmem>>, %arg3: memref<1x1x2560xi32, #tpu.memory_space<vmem>>, %arg4: memref<256x128xbf16, #tpu.memory_space<vmem>>, %arg5: memref<1x256xf32, #tpu.memory_space<vmem>>, %arg6: memref<128x128xf32, #tpu.memory_space<vmem>>, %arg7: memref<1x128xf32, #tpu.memory_space<vmem>>, %arg8: memref<10240x128xf32, #tpu.memory_space<vmem>>, %arg9: memref<10240x256xf32, #tpu.memory_space<vmem>>) attributes {dimension_semantics = [#tpu.dimension_semantics<arbitrary>], iteration_bounds = array<i64: 125>, scalar_prefetch = 1 : i64, scratch_operands = 1 : i64, tpu.core_type = #tpu.core_type<tc>, window_params = [{transform_indices = @transform_0, window_bounds = array<i64: 2560, 128>}, {transform_indices = @transform_1, window_bounds = array<i64: 1, 1, 2560>}, {pipeline_mode = #tpu.pipeline_mode<synchronous>, transform_indices = @transform_2, window_bounds = array<i64: 256, 128>}, {pipeline_mode = #tpu.pipeline_mode<synchronous>, transform_indices = @transform_3, window_bounds = array<i64: 1, 256>}, {pipeline_mode = #tpu.pipeline_mode<synchronous>, transform_indices = @transform_4, window_bounds = array<i64: 128, 128>}, {pipeline_mode = #tpu.pipeline_mode<synchronous>, transform_indices = @transform_5, window_bounds = array<i64: 1, 128>}, {pipeline_mode = #tpu.pipeline_mode<synchronous>, transform_indices = @transform_6, window_bounds = array<i64: 10240, 128>}]} {
    %eq3A = arith.constant 0 : i32
    %eq3A_0 = arith.cmpi eq, %arg0, %eq3A : i32
    %convert_element_type3A = arith.extui %eq3A_0 : i1 to i32
    %cond3A = arith.constant 0 : i32
    %cond3A_1 = arith.cmpi ne, %convert_element_type3A, %cond3A : i32
    scf.if %cond3A_1 {
      %broadcast_in_dim3A_60 = arith.constant 0.000000e+00 : f32
      %broadcast_in_dim3A_61 = vector.broadcast %broadcast_in_dim3A_60 : f32 to vector<10240x256xf32>
      %swap3A_62 = arith.constant 0 : index
      %swap3A_63 = arith.constant 0 : index
      %swap3A_64 = vector.load %arg9[%swap3A_62, %swap3A_63] : memref<10240x256xf32, #tpu.memory_space<vmem>>, vector<10240x256xf32>
      tpu.vector_store %arg9[%swap3A_62, %swap3A_63], %broadcast_in_dim3A_61 {strides = array<i32>} : memref<10240x256xf32, #tpu.memory_space<vmem>>, vector<10240x256xf32>,
    } else {
    }
    %get3A = arith.index_cast %arg0 : i32 to index
    %get3A_2 = memref.load %arg1[%get3A] : memref<125xi32, #tpu.memory_space<smem>>
    %jit3A = arith.constant 8 : i32
    %div3A = arith.divsi %get3A_2, %jit3A : i32
    %sign3A = arith.constant 0 : i32
    %sign3A_3 = arith.cmpi sgt, %get3A_2, %sign3A : i32
    %sign3A_4 = arith.extui %sign3A_3 : i1 to i32
    %sign3A_5 = arith.constant 0 : i32
    %sign3A_6 = arith.cmpi slt, %get3A_2, %sign3A_5 : i32
    %sign3A_7 = arith.extui %sign3A_6 : i1 to i32
    %sign3A_8 = arith.subi %sign3A_4, %sign3A_7 : i32
    %sign3A_9 = arith.constant 0 : i32
    %sign3A_10 = arith.cmpi sgt, %jit3A, %sign3A_9 : i32
    %sign3A_11 = arith.extui %sign3A_10 : i1 to i32
    %sign3A_12 = arith.constant 0 : i32
    %sign3A_13 = arith.cmpi slt, %jit3A, %sign3A_12 : i32
    %sign3A_14 = arith.extui %sign3A_13 : i1 to i32
    %sign3A_15 = arith.subi %sign3A_11, %sign3A_14 : i32
    %ne3A = arith.cmpi ne, %sign3A_8, %sign3A_15 : i32
    %rem3A = arith.remsi %get3A_2, %jit3A : i32
    %ne3A_16 = arith.constant 0 : i32
    %ne3A_17 = arith.cmpi ne, %rem3A, %ne3A_16 : i32
    %and3A = arith.andi %ne3A, %ne3A_17 : i1
    %sub3A = arith.constant 1 : i32
    %sub3A_18 = arith.subi %div3A, %sub3A : i32
    %select_n3A = arith.select %and3A, %sub3A_18, %div3A : i32
    %mul3A = arith.constant 8 : i32
    %mul3A_19 = arith.muli %select_n3A, %mul3A : i32
    %get3A_20 = arith.constant 0 : index
    %get3A_21 = arith.constant 0 : index
    %get3A_22 = vector.load %arg2[%get3A_20, %get3A_21] : memref<2560x128xf32, #tpu.memory_space<vmem>>, vector<2560x128xf32>
    %convert_element_type3A_23 = arith.truncf %get3A_22 : vector<2560x128xf32> to vector<2560x128xbf16>
    %get3A_24 = arith.constant 0 : index
    %get3A_25 = arith.constant 0 : index
    %get3A_26 = vector.load %arg4[%get3A_24, %get3A_25] : memref<256x128xbf16, #tpu.memory_space<vmem>>, vector<256x128xbf16>
    %dot_general3A = arith.constant dense<0.000000e+00> : vector<2560x256xf32>
    %dot_general3A_27 = tpu.matmul %convert_element_type3A_23, %get3A_26, %dot_general3A {dimension_numbers = #tpu.dot_dimension_numbers<[1], [1], [0], [0], [0, 0, 1, 0], [], []>, transpose_lhs_hint = false} : vector<2560x128xbf16>, vector<256x128xbf16>, vector<2560x256xf32> -> vector<2560x256xf32>
    %get3A_28 = arith.constant 0 : index
    %get3A_29 = arith.constant 0 : index
    %get3A_30 = vector.load %arg5[%get3A_28, %get3A_29] : memref<1x256xf32, #tpu.memory_space<vmem>>, vector<1x256xf32>
    %add3A = vector.broadcast %get3A_30 : vector<1x256xf32> to vector<2560x256xf32>
    %add3A_31 = arith.addf %dot_general3A_27, %add3A : vector<2560x256xf32>
    %slice3A = vector.extract_strided_slice %add3A_31 {offsets = [0, 0], sizes = [2560, 128], strides = [1, 1]} : vector<2560x256xf32> to vector<2560x128xf32>
    %exp3A = math.exp %slice3A : vector<2560x128xf32>
    %slice3A_32 = vector.extract_strided_slice %add3A_31 {offsets = [0, 128], sizes = [2560, 128], strides = [1, 1]} : vector<2560x256xf32> to vector<2560x128xf32>
    %mul3A_33 = arith.mulf %slice3A_32, %exp3A : vector<2560x128xf32>
    %get3A_34 = arith.constant 0 : index
    %get3A_35 = arith.constant 0 : index
    %get3A_36 = arith.constant 0 : index
    %get3A_37 = vector.load %arg3[%get3A_34, %get3A_35, %get3A_36] : memref<1x1x2560xi32, #tpu.memory_space<vmem>>, vector<1x1x2560xi32>
    %get3A_38 = vector.shape_cast %get3A_37 : vector<1x1x2560xi32> to vector<2560xi32>
    %sub3A_39 = vector.broadcast %mul3A_19 : i32 to vector<2560xi32>
    %sub3A_40 = arith.subi %get3A_38, %sub3A_39 : vector<2560xi32>
    %iota3A = tpu.iota {dimensions = array<i32: 0>} : vector<128x2560xi32>
    %broadcast_in_dim3A = vector.shape_cast %sub3A_40 : vector<2560xi32> to vector<1x2560xi32>
    %eq3A_41 = vector.broadcast %broadcast_in_dim3A : vector<1x2560xi32> to vector<128x2560xi32>
    %eq3A_42 = arith.cmpi eq, %iota3A, %eq3A_41 : vector<128x2560xi32>
    %convert_element_type3A_43 = arith.extui %eq3A_42 : vector<128x2560xi1> to vector<128x2560xi32>
    %convert_element_type3A_44 = arith.sitofp %convert_element_type3A_43 : vector<128x2560xi32> to vector<128x2560xf32>
    %convert_element_type3A_45 = arith.truncf %convert_element_type3A_44 : vector<128x2560xf32> to vector<128x2560xbf16>
    %concatenate3A = tpu.concatenate %exp3A, %mul3A_33 in 1 : vector<2560x128xf32>, vector<2560x128xf32> -> vector<2560x256xf32>
    %convert_element_type3A_46 = arith.truncf %concatenate3A : vector<2560x256xf32> to vector<2560x256xbf16>
    %dot_general3A_47 = arith.constant dense<0.000000e+00> : vector<128x256xf32>
    %dot_general3A_48 = tpu.matmul %convert_element_type3A_45, %convert_element_type3A_46, %dot_general3A_47 {dimension_numbers = #tpu.dot_dimension_numbers<[1], [0], [0], [1], [0, 0, 1, 1], [], []>, transpose_lhs_hint = false} : vector<128x2560xbf16>, vector<2560x256xbf16>, vector<128x256xf32> -> vector<128x256xf32>
    %get3A_49 = arith.index_cast %mul3A_19 : i32 to index
    %get3A_50 = arith.constant 0 : index
    %get3A_51 = vector.load %arg9[%get3A_49, %get3A_50] : memref<10240x256xf32, #tpu.memory_space<vmem>>, vector<128x256xf32>
    %add3A_52 = arith.addf %get3A_51, %dot_general3A_48 : vector<128x256xf32>
    %swap3A = arith.index_cast %mul3A_19 : i32 to index
    %swap3A_53 = arith.constant 0 : index
    %swap3A_54 = vector.load %arg9[%swap3A, %swap3A_53] : memref<10240x256xf32, #tpu.memory_space<vmem>>, vector<128x256xf32>
    tpu.vector_store %arg9[%swap3A, %swap3A_53], %add3A_52 {strides = array<i32>} : memref<10240x256xf32, #tpu.memory_space<vmem>>, vector<128x256xf32>,
    %eq3A_55 = arith.constant 124 : i32
    %eq3A_56 = arith.cmpi eq, %arg0, %eq3A_55 : i32
    %convert_element_type3A_57 = arith.extui %eq3A_56 : i1 to i32
    %cond3A_58 = arith.constant 0 : i32
    %cond3A_59 = arith.cmpi ne, %convert_element_type3A_57, %cond3A_58 : i32
    scf.if %cond3A_59 {
      %get3A_60 = arith.constant 0 : index
      %get3A_61 = arith.constant 0 : index
      %get3A_62 = vector.load %arg9[%get3A_60, %get3A_61] : memref<10240x256xf32, #tpu.memory_space<vmem>>, vector<10240x128xf32>
      %gt3A = arith.constant 0.000000e+00 : f32
      %gt3A_63 = vector.broadcast %gt3A : f32 to vector<10240x128xf32>
      %gt3A_64 = arith.cmpf ogt, %get3A_62, %gt3A_63 : vector<10240x128xf32>
      %get3A_65 = arith.constant 0 : index
      %get3A_66 = arith.constant 128 : index
      %get3A_67 = vector.load %arg9[%get3A_65, %get3A_66] : memref<10240x256xf32, #tpu.memory_space<vmem>>, vector<10240x128xf32>
      %div3A_68 = arith.divf %get3A_67, %get3A_62 : vector<10240x128xf32>
      %jit3A_69 = arith.constant 0.000000e+00 : f32
      %broadcast_in_dim3A_70 = vector.broadcast %jit3A_69 : f32 to vector<10240x128xf32>
      %select_n3A_71 = arith.select %gt3A_64, %div3A_68, %broadcast_in_dim3A_70 : vector<10240x128xi1>, vector<10240x128xf32>
      %get3A_72 = arith.constant 0 : index
      %get3A_73 = arith.constant 0 : index
      %get3A_74 = vector.load %arg6[%get3A_72, %get3A_73] : memref<128x128xf32, #tpu.memory_space<vmem>>, vector<128x128xf32>
      %dot_general3A_75 = arith.constant dense<0.000000e+00> : vector<10240x128xf32>
      %dot_general3A_76 = tpu.matmul %select_n3A_71, %get3A_74, %dot_general3A_75 {dimension_numbers = #tpu.dot_dimension_numbers<[1], [1], [0], [0], [0, 0, 1, 0], [], []>, transpose_lhs_hint = false} : vector<10240x128xf32>, vector<128x128xf32>, vector<10240x128xf32> -> vector<10240x128xf32>
      %get3A_77 = arith.constant 0 : index
      %get3A_78 = arith.constant 0 : index
      %get3A_79 = vector.load %arg7[%get3A_77, %get3A_78] : memref<1x128xf32, #tpu.memory_space<vmem>>, vector<1x128xf32>
      %add3A_80 = vector.broadcast %get3A_79 : vector<1x128xf32> to vector<10240x128xf32>
      %add3A_81 = arith.addf %dot_general3A_76, %add3A_80 : vector<10240x128xf32>
      %swap3A_82 = arith.constant 0 : index
      %swap3A_83 = arith.constant 0 : index
      %swap3A_84 = vector.load %arg8[%swap3A_82, %swap3A_83] : memref<10240x128xf32, #tpu.memory_space<vmem>>, vector<10240x128xf32>
      tpu.vector_store %arg8[%swap3A_82, %swap3A_83], %add3A_81 {strides = array<i32>} : memref<10240x128xf32, #tpu.memory_space<vmem>>, vector<10240x128xf32>,
    } else {
    }
    return
  }
  func.func @transform_0(%arg0: i32, %arg1: memref<125xi32, #tpu.memory_space<smem>>) -> (i32, i32) {
    %c0_i32 = arith.constant 0 : i32
    %c0_i32_0 = arith.constant 0 : i32
    return %arg0, %c0_i32 : i32, i32
  }
  func.func @transform_1(%arg0: i32, %arg1: memref<125xi32, #tpu.memory_space<smem>>) -> (i32, i32, i32) {
    %c0_i32 = arith.constant 0 : i32
    %c0_i32_0 = arith.constant 0 : i32
    %c0_i32_1 = arith.constant 0 : i32
    return %arg0, %c0_i32, %c0_i32_0 : i32, i32, i32
  }
  func.func @transform_2(%arg0: i32, %arg1: memref<125xi32, #tpu.memory_space<smem>>) -> (i32, i32) {
    %c0_i32 = arith.constant 0 : i32
    %c0_i32_0 = arith.constant 0 : i32
    %c0_i32_1 = arith.constant 0 : i32
    return %c0_i32, %c0_i32_0 : i32, i32
  }
  func.func @transform_3(%arg0: i32, %arg1: memref<125xi32, #tpu.memory_space<smem>>) -> (i32, i32) {
    %c0_i32 = arith.constant 0 : i32
    %c0_i32_0 = arith.constant 0 : i32
    %c0_i32_1 = arith.constant 0 : i32
    return %c0_i32, %c0_i32_0 : i32, i32
  }
  func.func @transform_4(%arg0: i32, %arg1: memref<125xi32, #tpu.memory_space<smem>>) -> (i32, i32) {
    %c0_i32 = arith.constant 0 : i32
    %c0_i32_0 = arith.constant 0 : i32
    %c0_i32_1 = arith.constant 0 : i32
    return %c0_i32, %c0_i32_0 : i32, i32
  }
  func.func @transform_5(%arg0: i32, %arg1: memref<125xi32, #tpu.memory_space<smem>>) -> (i32, i32) {
    %c0_i32 = arith.constant 0 : i32
    %c0_i32_0 = arith.constant 0 : i32
    %c0_i32_1 = arith.constant 0 : i32
    return %c0_i32, %c0_i32_0 : i32, i32
  }
  func.func @transform_6(%arg0: i32, %arg1: memref<125xi32, #tpu.memory_space<smem>>) -> (i32, i32) {
    %c0_i32 = arith.constant 0 : i32
    %c0_i32_0 = arith.constant 0 : i32
    %c0_i32_1 = arith.constant 0 : i32
    return %c0_i32, %c0_i32_0 : i32, i32
  }
}

</mosaic_0001>

<sc_bundles>
// kernel: kernel.4.cloned.1.call-start
scs
__scs_entry_jumppad:
0x0: {  	(pc) =	sbr.rel $0x88, $3  }
0x1: {  	(tag) =	ssettag $0x0;
	lr =	simm.s32 $0x1  }
0x2: {  	[smem:$0x3F99] =	sst lr;
	_ =	strace $0xD0000000  }
0x3: {  	_ = 	snop  }
0x4: {  	_ = 	snop  }
0x5: {  	_ = 	snop  }
0x6: {  	_ = 	snop  }
0x7: {  	_ = 	snop  }
__scs_overlays_trampoline_lowered:
0x8: {  	[smem:$0x3FA8] =	sst s0  }
0x9: {  	[smem:$0x3FA9] =	sst s1  }
0xa: {  	[smem:$0x3FAA] =	sst s2  }
0xb: {  	[smem:$0x3FAB] =	sst s3  }
0xc: {  	[smem:$0x3FAC] =	sst s4  }
0xd: {  	[smem:$0x3FAD] =	sst s5  }
0xe: {  	[smem:$0x3FAE] =	sst s6  }
0xf: {  	[smem:$0x3FAF] =	sst s7  }
0x10: {  	[smem:$0x3FB0] =	sst s8  }
0x11: {  	[smem:$0x3FB1] =	sst s9;
	s0 =	simm.s32 @!p0 $0x0  }
0x12: {  	s1 =	sld [smem:$0x3F97];
	s0 =	simm.s32 @p0 $0x1  }
0x13: {  	[smem:$0x3FB2] =	sst s0;
	s0 =	simm.s32 @!p1 $0x0  }
0x14: {  	s2 =	sld [smem:$0x3F96];
	s0 =	simm.s32 @p1 $0x1  }
0x15: {  	[smem:$0x3FB3] =	sst s0;
	s0 =	simm.s32 @!p2 $0x0  }
0x16: {  	s3 =	sld [smem:$0x3FDB];
	s0 =	simm.s32 @p2 $0x1  }
0x17: {  	s4 =	simm.s32 $0x1BF5;
	[smem:$0x3FB5] =	sst s0  }
0x18: {  	s0 =	sld [smem:$0x3F98];
	_ =	swait.ge [sflag:s4], $0x0  }
0x19: {  	s7 =	sld [smem:$0x3F99]  }
0x1a: {  	s8 =	sadd.s32 $0xFFFFE003, lr  }
0x1b: {  	s9 =	sadd.s32 $0xFFFFFEF7, lr;
	s5 =	simm.s32 $0xFFFFFFFF;
	p2 =	slt.u32 s8, $0xFFFFF086  }
0x1c: {  	p1 =	slt.u32 s9, $0xF7A;
	s5 =	simm.s32 @!p2 $0x0  }
0x1d: {  	s5 =	simm.s32 @p1 $0x1;
	p0 =	seq.s32 s7, s2  }
0x1e: {  	s7 =	smul.u32 @!p0 $0xF7A, s2;
	p2 =	seq.s32 @!p0 s5, $0x0  }
0x1f: {  	s9 =	smul.u32 $0xF7A, s1;
	s8 =	simm.s32 @!p0 $0x1BF5;
	p2 =	por !p2, p0  }
0x20: {  	[sflag:s8] =	ssyncset.s32 @!p0 $0xFFFFF086;
	s6 =	sadd.s32 @!p0 s3, s7;
	s7 =	simm.s32 @!p0 $0x108  }
0x21: {  	s3 =	sadd.s32 s3, s9;
	s6 =	sadd.s32 @!p0 $0x88, s6;
	s7 =	simm.s32 @p2 $0x1082  }
0x22: {  	[simem:s7], [sflag:s8] =	dma.local @!p0 [hbm:s6], $0xF7A  }
0x23: {  	s9 =	sor.u32 $0xD0000000, s2;
	s6 =	simm.s32 $0x108;
	_ =	swait.ge @!p0 [sflag:s8], $0x0  }
0x24: {  	s3 =	sadd.s32 $0x88, s3;
	s6 =	simm.s32 @!p1 $0x1082;
	[sflag:s4] =	ssyncset.s32 $0xFFFFF086  }
0x25: {  	[simem:s6], [sflag:s4] =	dma.local [hbm:s3], $0xF7A  }
0x26: {  	[smem:$0x3F99] =	sst s1;
	(tag) =	ssettag s2;
	_ =	strace s9  }
0x27: {  	s1 =	sld [smem:$0x3FA9]  }
0x28: {  	s2 =	sld [smem:$0x3FAA]  }
0x29: {  	s4 =	sld [smem:$0x3FAC]  }
0x2a: {  	p0 =	seq.s32 s5, $0x0;
	s5 =	sld [smem:$0x3FAD]  }
0x2b: {  	s6 =	sld [smem:$0x3FAE]  }
0x2c: {  	s7 =	sld [smem:$0x3FAF]  }
0x2d: {  	s3 =	simm.s32 $0x108;
	s8 =	sld [smem:$0x3FB0]  }
0x2e: {  	s3 =	simm.s32 @!p0 $0x1082;
	s9 =	sld [smem:$0x3FB1]  }
0x2f: {  	lr =	sadd.s32 s0, s3;
	s0 =	sld [smem:$0x3FA8]  }
0x30: {  	s3 =	sld [smem:$0x3FAB]  }
0x31: {  	[smem:$0x3FB4] =	sst s10  }
0x32: {  	s10 =	sld [smem:$0x3FB2];
	_ =	sdelay $0x3  }
0x33: {  	p0 =	seq.s32 s10, $0x1;
	s10 =	sld [smem:$0x3FB4];
	_ =	sdelay $0x3  }
0x34: {  	[smem:$0x3FB4] =	sst s10  }
0x35: {  	s10 =	sld [smem:$0x3FB3];
	_ =	sdelay $0x3  }
0x36: {  	p1 =	seq.s32 s10, $0x1;
	s10 =	sld [smem:$0x3FB4];
	_ =	sdelay $0x3  }
0x37: {  	[smem:$0x3FB4] =	sst s10  }
0x38: {  	s10 =	sld [smem:$0x3FB5]  }
0x39: {  	_ = 	snop;
	(pc) =	sbr.ind lr, $3  }
0x3a: {  	_ = 	snop  }
0x3b: {  	_ = 	snop  }
0x3c: {  	p2 =	seq.s32 s10, $0x1;
	s10 =	sld [smem:$0x3FB4]  }
0x3d: {  	_ =	shalt  }
0x3e: {  	_ =	shalt  }
0x3f: {  	_ =	shalt  }
0x40: {  	_ =	shalt  }
0x41: {  	_ =	shalt  }
0x42: {  	_ =	shalt  }
0x43: {  	_ =	shalt  }
0x44: {  	_ =	shalt  }
0x45: {  	_ =	shalt  }
0x46: {  	_ =	shalt  }
0x47: {  	_ =	shalt  }
0x48: {  	_ =	shalt  }
0x49: {  	_ =	shalt  }
0x4a: {  	_ =	shalt  }
0x4b: {  	_ =	shalt  }
0x4c: {  	_ =	shalt  }
0x4d: {  	_ =	shalt  }
0x4e: {  	_ =	shalt  }
0x4f: {  	_ =	shalt  }
0x50: {  	_ =	shalt  }
0x51: {  	_ =	shalt  }
0x52: {  	_ =	shalt  }
0x53: {  	_ =	shalt  }
0x54: {  	_ =	shalt  }
0x55: {  	_ =	shalt  }
0x56: {  	_ =	shalt  }
0x57: {  	_ =	shalt  }
0x58: {  	_ =	shalt  }
0x59: {  	_ =	shalt  }
0x5a: {  	_ =	shalt  }
0x5b: {  	_ =	shalt  }
0x5c: {  	_ =	shalt  }
0x5d: {  	_ =	shalt  }
0x5e: {  	_ =	shalt  }
0x5f: {  	_ =	shalt  }
0x60: {  	_ =	shalt  }
0x61: {  	_ =	shalt  }
0x62: {  	_ =	shalt  }
0x63: {  	_ =	shalt  }
0x64: {  	_ =	shalt  }
0x65: {  	_ =	shalt  }
0x66: {  	_ =	shalt  }
0x67: {  	_ =	shalt  }
0x68: {  	_ =	shalt  }
0x69: {  	_ =	shalt  }
0x6a: {  	_ =	shalt  }
0x6b: {  	_ =	shalt  }
0x6c: {  	_ =	shalt  }
0x6d: {  	_ =	shalt  }
0x6e: {  	_ =	shalt  }
0x6f: {  	_ =	shalt  }
0x70: {  	_ =	shalt  }
0x71: {  	_ =	shalt  }
0x72: {  	_ =	shalt  }
0x73: {  	_ =	shalt  }
0x74: {  	_ =	shalt  }
0x75: {  	_ =	shalt  }
0x76: {  	_ =	shalt  }
0x77: {  	_ =	shalt  }
0x78: {  	_ =	shalt  }
0x79: {  	_ =	shalt  }
0x7a: {  	_ =	shalt  }
0x7b: {  	_ =	shalt  }
0x7c: {  	_ =	shalt  }
0x7d: {  	_ =	shalt  }
0x7e: {  	_ =	shalt  }
0x7f: {  	_ =	shalt  }
0x80: {  	_ =	shalt  }
0x81: {  	_ =	shalt  }
0x82: {  	_ =	shalt  }
0x83: {  	_ =	shalt  }
0x84: {  	_ =	shalt  }
0x85: {  	_ =	shalt  }
0x86: {  	_ =	shalt  }
0x87: {  	_ =	shalt  }
.Lfunc_end0:
.L_simem_size_0:
called_computation_lowered:
.L_overlay_start_0:
0x88: {  	s2 =	sld [smem:$0x3FD9]  }
0x89: {  	s3 =	sld [smem:$0x3FFE];
	_ =	sdelay $0x1  }
0x8a: {  	s1 =	srdreg.scid  }
0x8b: {  	s0 =	sand.u32 $0x1, s1  }
0x8c: {  	s17 =	sshll.u32 s0, $0xA;
	s2 =	sadd.s32 s3, s2  }
0x8d: {  	s2 =	sadd.s32 s2, s17  }
0x8e: {  	[smem:$0x3FC0] =	sst s2  }
0x8f: {  	_ = 	snop  }
0x90: {  	s2 =	sld [smem:$0x3FC8]  }
0x91: {  	s18 =	sld [smem:$0x3FD0];
	(tm) =	ssettm $0x1  }
0x92: {  	s4 =	sld [smem:$0x3FFB];
	_ =	sdelay $0x3  }
0x93: {  	_ =	strace s4  }
0x94: {  	s4 =	sld [smem:$0x3FFC];
	_ =	sdelay $0x3  }
0x95: {  	_ =	strace s4  }
0x96: {  	s4 =	sld [smem:$0x3FFD];
	_ =	sdelay $0x3  }
0x97: {  	_ =	strace s4  }
0x98: {  	_ =	strace $0x8FFFFFFF  }
0x99: {  	s19 =	sld [smem:$0x3FDB];
	_ =	sdelay $0x1  }
0x9a: {  	s5 =	simm.s32 $_scs_section_size  }
0x9b: {  	s6 =	simm.s32 $_size__tile_overlayer_lowered;
	s7 =	simm.s32 $_tile_overlayer_lowered  }
0x9c: {  	s22 =	simm.s32 $0x1BFF;
	s21 =	sshll.u32 s7, $0x1;
	s4 =	sadd.s32 s5, s19  }
0x9d: {  	s8 =	simm.s32 $0x0;
	s20 =	sshll.u32 s6, $0x1;
	s6 =	sadd.s32 s21, s4  }
0x9e: {  	[timem:s8], [sflag:s22] =	dma.local [hbm:s6], s20  }
0x9f: {  	_ =	swait.ge [sflag:s22], s20  }
0xa0: {  	s5 =	ssub.s32 $0x0, s20;
	[sflag:s22] =	ssyncset.done $0x0  }
0xa1: {  	[sflag:s22] =	ssyncadd.s32 s5;
	_ =	sdelay $0x1  }
0xa2: {  	s23 =	simm.s32 $0x1B8B  }
0xa3: {  	_ =	swait.ge [sflag:s23], $0x1  }
0xa4: {  	[sflag:s23] =	ssyncset.done $0x0  }
0xa5: {  	s25 =	simm.s32 $0x1B8E;
	s24 =	sld [smem:$0x3FFE];
	[sflag:s23] =	ssyncadd.s32 $0xFFFFFFFF  }
0xa6: {  	s26 =	simm.s32 $execute0_lowered;
	[smem:$0x3FD2] =	sst s25  }
0xa7: {  	s6 =	sshll.u32 s26, $0x1;
	_ =	strace $0x80000046;
	[dreg:$0x1] =	wrdreg $0xFFFFFFFF  }
0xa8: {  	s28 =	simm.s32 $_size_execute0_lowered;
	s4 =	sadd.s32 s4, s6;
	[dreg:$0x0] =	wrdreg $0x0  }
0xa9: {  	s6 =	sshll.u32 s28, $0x1;
	[dreg:$0x2] =	wrdreg s4  }
0xaa: {  	[dreg:$0x3] =	wrdreg s6  }
0xab: {  	[dreg:$0x4] =	wrdreg $0xC0  }
0xac: {  	_ =	task [dreg:s8], $0x5FFFF  }
0xad: {  	[dreg:$0x1] =	wrdreg $0xFFFFFFFF  }
0xae: {  	[dreg:$0x0] =	wrdreg $0x60  }
0xaf: {  	[dreg:$0x2] =	wrdreg s24  }
0xb0: {  	[dreg:$0x3] =	wrdreg s2  }
0xb1: {  	[dreg:$0x4] =	wrdreg s18  }
0xb2: {  	[dreg:$0x5] =	wrdreg $0x4F800  }
0xb3: {  	[dreg:$0x6] =	wrdreg $0x9  }
0xb4: {  	_ =	task.clear_ibuf [dreg:s8], $0x7FFFF;
	_ =	strace $0x90000046  }
0xb5: {  	s29 =	simm.s32 $0x9;
	_ =	strace $0x80000048  }
0xb6: {  	_ =	swait.ge [sflag:s29], $0x1  }
0xb7: {  	[sflag:s29] =	ssyncadd.s32 $0xFFFFFFFF  }
0xb8: {  	_ =	strace $0x90000048  }
0xb9: {  	_ =	sfence  }
0xba: {  	s30 =	sld [smem:$0x0];
	_ =	sdelay $0x2  }
0xbb: {  	s31 =	sshll.u32 s1, $0xD;
	s1 =	sshrl.u32 s1, $0x2  }
0xbc: {  	s3 =	sand.u32 $0x4000, s31;
	s1 =	sadd.s32 s1, s30  }
0xbd: {  	s0 =	sor.u32 s3, s0;
	s1 =	sshll.u32 s1, $0x11  }
0xbe: {  	s0 =	sor.u32 s1, s0  }
0xbf: {  	s0 =	sadd.s32 $0x8F2B, s0  }
0xc0: {  	[sflag:s0] =	ssyncadd.remote.s32 $0x1  }
0xc1: {  	_ =	sfence.sel $0xFFFF  }
0xc2: {  	[dreg:$0x0] =	wrdreg $0xFFFFFFFF;
	(pc) =	sbr.abs _section_cstart, $3  }
0xc3: {  	[dreg:$0x1] =	wrdreg $0xFFFFFFFF  }
0xc4: {  	_ =	task.clear_ibuf [dreg:s8], $0x2FFFF;
	_ =	strace $0x9FFFFFFF  }
0xc5: {  	(tm) =	ssettm $0x7FFFFFFF  }
tec
execute0_lowered:
.L_overlay_start_1:
0x0: {  	(tag) =	ssettag $0x1  }
0x1: {  	s3 =	rddreg [dreg:$0x0]  }
0x2: {  	s4 =	rddreg [dreg:$0x1]  }
0x3: {  	s7 =	rddreg [dreg:$0x2]  }
0x4: {  	s1 =	rddreg [dreg:$0x3]  }
0x5: {  	s0 =	rddreg [dreg:$0x4];
	s5 =	srdreg.scid  }
0x6: {  	s9 =	stileid.u32;
	s2 =	simm.s32 $0x0;
	s13 =	simm.s32 $0x3B80  }
0x7: {  	s14 =	simm.s32 $0x1;
	s15 =	simm.s32 $0x2;
	s16 =	simm.s32 $0x26E8  }
0x8: {  	s17 =	simm.s32 $0x0;
	s5 =	sand.u32 $0x1, s5;
	s6 =	sshll.u32 s9, $0x1  }
0x9: {  	[smem:$0x7FF] =	sst s2;
	s3 =	sadd.s32 $0xA00, s3;
	s29 =	smul.u32 $0x4E200, s9  }
0xa: {  	p0 =	sne.s32 s9, $0x0;
	s6 =	sor.u32 s5, s6;
	s12 =	smul.u32 $0x27100, s5  }
0xb: {  	_ =	strace $0x80000047;
	s8 =	ssub.s32 $0x2, s5;
	s10 =	smul.u32 $0x2710, s6  }
0xc: {  	s9 =	sshrl.u32 @!p0 s1, $0x3;
	s11 =	sshrl.u32 s8, $0x1;
	s6 =	smul.u32 $0x27100, s6  }
0xd: {  	s31 =	sadd.s32 s29, s7;
	s8 =	ssub.s32 s8, s11;
	s11 =	simm.s32 $0x2780  }
0xe: {  	s10 =	sshrl.u32 s10, $0x3;
	s30 =	sadd.s32 s7, s6;
	s5 =	smax.u32 s8, $0x1  }
0xf: {  	s8 =	sadd.s32 s12, s31;
	s12 =	simm.s32 $0x28;
	s4 =	sadd.s32 s4, s10  }
0x10: {  	s6 =	sadd.s32 $0x26C00, s30;
	s7 =	sadd.s32 $0x26E80, s30;
	s10 =	simm.s32 $0x3  }
.LBB2_1:
0x11: {  	s18 =	simm.s32 @!p0 $0x1C03  }
0x12: {  	[spmem:s9], [sflag:s18] =	dma.local @!p0 [hbm:s3], $0x28000  }
0x13: {  	s18 =	simm.s32 @!p0 $0x3  }
0x14: {  	_ =	swait.ge @!p0 [sflag:s18], $0x28000  }
0x15: {  	[sflag:s18] =	ssyncset.done @!p0 $0x0  }
0x16: {  	[sflag:s18] =	ssyncadd.s32 @!p0 $0xFFFD8000  }
0x17: {  	[tilespmem:s2], [sflag:$0x3] =	stream.linear.gather [hbm4b:s4+s2], $0x2710, $0x38;
	[tilespmem:$0x18F80] =	vst v63  }
0x18: {  	_ =	swait.ge [sflag:s10], $0x2710  }
0x19: {  	[sflag:s10] =	ssyncset.done $0x0  }
0x1a: {  	[sflag:s10] =	ssyncadd.s32 $0xFFFFD8F0  }
0x1b: {  	[bflag:$0x0] =	sbarrier.arrive $0xFFFF  }
0x1c: {  	[tilespmem:s11], [sflag:$0x1] =	stream.indirect.gather [spmem:s1], $0x80, s2, s12, $0xb8;
	[tilespmem:$0x18F80] =	vst v63  }
0x1d: {  	_ = 	snop  }
0x1e: {  	[tilespmem:s13], [sflag:$0x2] =	stream.indirect.gather [spmem:s1], $0x80, s12, s12, $0xb8;
	[tilespmem:$0x18F80] =	vst v63  }
0x1f: {  	_ =	swait.ge [sflag:s14], $0x1400  }
0x20: {  	[sflag:s14] =	ssyncset.done $0x0  }
0x21: {  	s31 =	sadd.s32 $0x0, s8;
	[sflag:s14] =	ssyncadd.s32 $0xFFFFEC00  }
0x22: {  	[hbm4b:s31+s2] =	stream.linear.scatter [tilespmem:s11], [sflag:$0x3], $0x1400, $0x38;
	[tilespmem:$0x18F80] =	vst v63  }
0x23: {  	_ =	swait.ge [sflag:s10], $0x1400  }
0x24: {  	[sflag:s10] =	ssyncset.done $0x0  }
0x25: {  	s19 =	simm.s32 $0x50;
	[sflag:s10] =	ssyncadd.s32 $0xFFFFEC00  }
0x26: {  	[tilespmem:s11], [sflag:$0x1] =	stream.indirect.gather [spmem:s1], $0x80, s19, s12, $0xb8;
	[tilespmem:$0x18F80] =	vst v63  }
0x27: {  	_ =	swait.ge [sflag:s15], $0x1400  }
0x28: {  	[sflag:s15] =	ssyncset.done $0x0  }
0x29: {  	s18 =	sadd.s32 $0x280, s31;
	[sflag:s15] =	ssyncadd.s32 $0xFFFFEC00  }
0x2a: {  	[hbm4b:s18+s2] =	stream.linear.scatter [tilespmem:s13], [sflag:$0x3], $0x1400, $0x38;
	[tilespmem:$0x18F80] =	vst v63  }
0x2b: {  	_ =	swait.ge [sflag:s10], $0x1400  }
0x2c: {  	s19 =	simm.s32 $0x28;
	s18 =	simm.s32 $0x500;
	[sflag:s10] =	ssyncset.done $0x0  }
.LBB2_2:
0x2d: {  	p1 =	sne.s32 s18, $0x26700;
	[sflag:s10] =	ssyncadd.s32 $0xFFFFEC00;
	s19 =	sadd.s32 $0x50, s19  }
0x2e: {  	[tilespmem:s13], [sflag:$0x2] =	stream.indirect.gather [spmem:s1], $0x80, s19, s12, $0xb8;
	[tilespmem:$0x18F80] =	vst v63  }
0x2f: {  	s20 =	smov.u32 s18;
	s18 =	sadd.s32 $0x500, s18;
	_ =	swait.ge [sflag:s14], $0x1400  }
0x30: {  	[sflag:s14] =	ssyncset.done $0x0  }
0x31: {  	s20 =	sadd.s32 s20, s8;
	[sflag:s14] =	ssyncadd.s32 $0xFFFFEC00  }
0x32: {  	[hbm4b:s20+s2] =	stream.linear.scatter [tilespmem:s11], [sflag:$0x3], $0x1400, $0x38;
	[tilespmem:$0x18F80] =	vst v63  }
0x33: {  	_ =	swait.ge [sflag:s10], $0x1400  }
0x34: {  	[sflag:s10] =	ssyncset.done $0x0  }
0x35: {  	s21 =	sadd.s32 $0x28, s19;
	[sflag:s10] =	ssyncadd.s32 $0xFFFFEC00  }
0x36: {  	[tilespmem:s11], [sflag:$0x1] =	stream.indirect.gather [spmem:s1], $0x80, s21, s12, $0xb8;
	[tilespmem:$0x18F80] =	vst v63  }
0x37: {  	_ =	swait.ge [sflag:s15], $0x1400  }
.Ltmp0:
0x38: {  	[sflag:s15] =	ssyncset.done $0x0;
	(pc) =	sbr.rel @p1 .LBB2_2-.Ltmp0, $4  }
0x39: {  	s20 =	sadd.s32 $0x280, s20;
	[sflag:s15] =	ssyncadd.s32 $0xFFFFEC00  }
0x3a: {  	[hbm4b:s20+s2] =	stream.linear.scatter [tilespmem:s13], [sflag:$0x3], $0x1400, $0x38;
	[tilespmem:$0x18F80] =	vst v63  }
0x3b: {  	_ =	swait.ge [sflag:s10], $0x1400  }
0x3c: {  	[sflag:s10] =	ssyncset.done $0x0  }
0x3d: {  	[sflag:s10] =	ssyncadd.s32 $0xFFFFEC00  }
0x3e: {  	[tilespmem:s13], [sflag:$0x2] =	stream.indirect.gather [spmem:s1], $0x80, s16, s12, $0xb8;
	[tilespmem:$0x18F80] =	vst v63  }
0x3f: {  	_ =	swait.ge [sflag:s14], $0x1400  }
0x40: {  	[sflag:s14] =	ssyncset.done $0x0  }
0x41: {  	[sflag:s14] =	ssyncadd.s32 $0xFFFFEC00  }
0x42: {  	[hbm4b:s6+s2] =	stream.linear.scatter [tilespmem:s11], [sflag:$0x3], $0x1400, $0x38;
	[tilespmem:$0x18F80] =	vst v63  }
0x43: {  	_ =	swait.ge [sflag:s10], $0x1400  }
0x44: {  	[sflag:s10] =	ssyncset.done $0x0  }
0x45: {  	[sflag:s10] =	ssyncadd.s32 $0xFFFFEC00  }
0x46: {  	s17 =	sadd.s32 $0x1, s17;
	_ =	swait.ge [sflag:s15], $0x1400  }
0x47: {  	p1 =	sne.s32 s17, s5;
	[sflag:s15] =	ssyncset.done $0x0  }
.Ltmp1:
0x48: {  	[sflag:s15] =	ssyncadd.s32 $0xFFFFEC00;
	(pc) =	sbr.rel @p1 .LBB2_1-.Ltmp1, $4  }
0x49: {  	[hbm4b:s7+s2] =	stream.linear.scatter [tilespmem:s13], [sflag:$0x3], $0x1400, $0x38;
	[tilespmem:$0x18F80] =	vst v63  }
0x4a: {  	_ =	swait.ge [sflag:s10], $0x1400  }
0x4b: {  	[sflag:s10] =	ssyncset.done $0x0  }
0x4c: {  	[sflag:s10] =	ssyncadd.s32 $0xFFFFEC00  }
0x4d: {  	_ =	sfence.sel $0x180000  }
0x4e: {  	[bflag:$0x0] =	sbarrier.arrive $0xFFFF  }
0x4f: {  	_ =	strace $0x90000047  }
0x50: {  	s0 =	sadd.s32 @!p0 $0x100000, s0;
	[bflag:$0x2] =	sbarrier.arrive $0xFFFF  }
0x51: {  	[sflag:s0] =	ssyncadd.tile.s32 @!p0 $0x1;
	_ =	shalt  }
.Lfunc_end2:
_tile_overlayer_lowered:
.L_overlay_start_2:
0x52: {  	(tag) =	ssettag $0x2  }
0x53: {  	s0 =	rddreg [dreg:$0x0];
	s2 =	stileid.u32  }
0x54: {  	s1 =	rddreg [dreg:$0x1];
	p0 =	sne.s32 s2, $0x0  }
0x55: {  	s3 =	rddreg [dreg:$0x2];
	[bflag:$0x3] =	sbarrier.arrive $0xFFFF;
	s2 =	simm.s32 @!p0 $0x1C03  }
0x56: {  	[timem:s3], [sflag:s2] =	dma.local @!p0 [hbm:s0], s1  }
0x57: {  	s0 =	simm.s32 @!p0 $0x3  }
0x58: {  	_ =	swait.ge @!p0 [sflag:s0], s1  }
0x59: {  	s1 =	ssub.s32 @!p0 $0x0, s1;
	[sflag:s0] =	ssyncset.done @!p0 $0x0  }
0x5a: {  	[sflag:s0] =	ssyncadd.s32 @!p0 s1  }
0x5b: {  	[bflag:$0x3] =	sbarrier.arrive $0xFFFF  }
0x5c: {  	_ =	shalt  }

</sc_bundles>
